<compile_context>
chip_gen: v7x
topology: tpu7x:2x2x1
jax: 0.10.2.dev20260603
libtpu: 0.0.44.dev20260713+nightly
codegen_flags: <defaults>
</compile_context>

<pallas_src>
import functools

import jax
import jax.numpy as jnp
from jax import lax
from jax.experimental import pallas as pl
from jax.experimental.pallas import tpu as pltpu
from jax.experimental.pallas import tpu_sc as plsc

L = 16


def _build(B, R, N, CAP, b_per_w):
    N_PAD = ((N + L - 1) // L) * L
    CAP_PAD = ((CAP + L - 1) // L) * L
    mesh = plsc.VectorSubcoreMesh(core_axis_name="c", subcore_axis_name="s")

    @functools.partial(
        pl.kernel,
        mesh=mesh,
        out_type=jax.ShapeDtypeStruct((B,), jnp.float32),
        compiler_params=pltpu.CompilerParams(needs_layout_passes=False),
        scratch_types=[
            pltpu.VMEM((b_per_w,), jnp.int32),
            pltpu.VMEM((b_per_w,), jnp.int32),
            pltpu.VMEM((R, N), jnp.float32),
            pltpu.VMEM((R, N), jnp.float32),
            pltpu.VMEM((CAP_PAD,), jnp.int32),
            pltpu.VMEM((N_PAD,), jnp.int32),
            pltpu.VMEM((b_per_w,), jnp.float32),
            pltpu.SemaphoreType.DMA,
        ],
    )
    def demand_kernel(i_hbm, j_hbm, as_hbm, bs_hbm, cap_hbm, out_hbm,
                      i_v, j_v, as_v, bs_v, cap_v, mask_v, out_v, sem):
        wid = lax.axis_index("s") * 2 + lax.axis_index("c")
        base = wid * b_per_w

        copies = [
            pltpu.async_copy(i_hbm.at[pl.ds(base, b_per_w)], i_v, sem),
            pltpu.async_copy(j_hbm.at[pl.ds(base, b_per_w)], j_v, sem),
            pltpu.async_copy(as_hbm, as_v, sem),
            pltpu.async_copy(bs_hbm, bs_v, sem),
            pltpu.async_copy(cap_hbm, cap_v.at[pl.ds(0, CAP)], sem),
        ]

        zeros = jnp.zeros((L,), jnp.int32)
        ones = jnp.ones((L,), jnp.int32)
        lane = jax.lax.iota(jnp.int32, L)

        def zero_body(k, carry):
            mask_v[pl.ds(k * L, L)] = zeros
            return carry
        lax.fori_loop(0, N_PAD // L, zero_body, 0, unroll=4)

        for c in copies:
            c.wait()

        for k in range(CAP_PAD // L):
            idx = cap_v[pl.ds(k * L, L)]
            if (k + 1) * L <= CAP:
                plsc.store_scatter(mask_v, [idx], ones)
            else:
                tail = jnp.full((L,), CAP - k * L, jnp.int32)
                plsc.store_scatter(mask_v, [idx], ones, mask=lane < tail)

        @plsc.parallel_loop(0, b_per_w, step=L, unroll=4)
        def body(k):
            iv = i_v[pl.ds(k, L)]
            jv = j_v[pl.ds(k, L)]
            mi = plsc.load_gather(mask_v, [iv])
            mj = plsc.load_gather(mask_v, [jv])
            r = jnp.bitwise_or(mi, mj)
            ai = plsc.load_gather(as_v, [r, iv])
            aj = plsc.load_gather(as_v, [r, jv])
            bi = plsc.load_gather(bs_v, [r, iv])
            bj = plsc.load_gather(bs_v, [r, jv])
            out_v[pl.ds(k, L)] = ai * aj + bi + bj

        pltpu.sync_copy(out_v, out_hbm.at[pl.ds(base, b_per_w)])

    return demand_kernel


def kernel(batch, As, Bs, capital_ids):
    B = batch.shape[0]
    R, N = As.shape
    CAP = capital_ids.shape[0]
    NW = 32
    b_per_w = B // NW

    fn = _build(B, R, N, CAP, b_per_w)
    return fn(batch[:, 0].astype(jnp.int32), batch[:, 1].astype(jnp.int32),
              As, Bs, capital_ids.astype(jnp.int32))

# --- scband reference (transcript-rebuilt; emitter-appended) ---
"""Pipeline reference for scband-demand-model-60662118089495 (READ-ONLY COPY).

The authoritative reference and input builder live on the scoring server;
editing this copy changes nothing except your own understanding.
"""

import jax, jax.numpy as jnp
import numpy as np

N = 3983
B = 16384

def setup_inputs(seed: int = 0) -> dict:
    key = jax.random.key(seed)
    k1, k2, k3, k4 = jax.random.split(key, 4)
    batch = jax.random.randint(k1, (B, 2), 0, N, dtype=jnp.int64) if jax.config.read('jax_enable_x64') else jax.random.randint(k1, (B, 2), 0, N, dtype=jnp.int32)
    As = jax.random.normal(k2, (2, N), dtype=jnp.float32)
    Bs = jax.random.normal(k3, (2, N), dtype=jnp.float32)
    capital_ids = jax.random.randint(k4, (50,), 0, N, dtype=batch.dtype)
    return {"batch": batch, "As": As, "Bs": Bs, "capital_ids": capital_ids}

def reference(batch, As, Bs, capital_ids):
    # row_idxs = torch.any(torch.isin(batch, capital_ids), dim=1).long()
    row_idxs = jnp.any(jnp.isin(batch, capital_ids), axis=1).astype(jnp.int32)  # [B]
    A = As[row_idxs]   # [B, N] gather on rows
    Bm = Bs[row_idxs]  # [B, N]
    # i, j = batch.t().unsqueeze(2) -> i,j each [B,1]
    i = batch[:, 0:1]
    j = batch[:, 1:2]
    Ai = jnp.take_along_axis(A, i, axis=1)   # [B,1]
    Aj = jnp.take_along_axis(A, j, axis=1)   # [B,1]
    Bi = jnp.take_along_axis(Bm, i, axis=1)  # [B,1]
    Bj = jnp.take_along_axis(Bm, j, axis=1)  # [B,1]
    out = (Ai * Aj + Bi + Bj).squeeze(1)     # [B]
    return out

if __name__ == "__main__":
    import jax
    _d = setup_inputs()
    print(jax.jit(kernel)(*tuple(_d.values())))

</pallas_src>

<mosaic_0001>
#map = affine_map<(d0, d1) -> (0)>
#map1 = affine_map<(d0, d1) -> (0, 0)>
module attributes {stable_mosaic.version = 14 : i64} {
  func.func @demand_kernel(%arg0: i32, %arg1: i32, %arg2: memref<16384xi32, #tpu.memory_space<hbm>>, %arg3: memref<16384xi32, #tpu.memory_space<hbm>>, %arg4: memref<2x3983xf32, #tpu.memory_space<hbm>>, %arg5: memref<2x3983xf32, #tpu.memory_space<hbm>>, %arg6: memref<50xi32, #tpu.memory_space<hbm>>, %arg7: memref<16384xf32, #tpu.memory_space<hbm>>, %arg8: memref<512xi32, #tpu.memory_space<vmem>>, %arg9: memref<512xi32, #tpu.memory_space<vmem>>, %arg10: memref<2x3983xf32, #tpu.memory_space<vmem>>, %arg11: memref<2x3983xf32, #tpu.memory_space<vmem>>, %arg12: memref<64xi32, #tpu.memory_space<vmem>>, %arg13: memref<3984xi32, #tpu.memory_space<vmem>>, %arg14: memref<512xf32, #tpu.memory_space<vmem>>, %arg15: memref<!tpu.dma_semaphore, #tpu.memory_space<semaphore_mem>>) attributes {dimension_semantics = [#tpu.dimension_semantics<core_parallel>, #tpu.dimension_semantics<subcore_parallel>], iteration_bounds = array<i64: 2, 16>, scalar_prefetch = 0 : i64, scratch_operands = 8 : i64, tpu.core_type = #tpu.core_type<sc_vector_subcore>, window_params = [{transform_indices = #map}, {transform_indices = #map}, {transform_indices = #map1}, {transform_indices = #map1}, {transform_indices = #map}, {transform_indices = #map}]} {
    %mul3A = arith.constant 2 : i32
    %mul3A_0 = arith.muli %arg1, %mul3A : i32
    %add3A = arith.addi %mul3A_0, %arg0 : i32
    %mul3A_1 = arith.constant 512 : i32
    %mul3A_2 = arith.muli %add3A, %mul3A_1 : i32
    %dma_start3A = tpu.memref_slice %arg2[%mul3A_2] : memref<16384xi32, #tpu.memory_space<hbm>> -> memref<512xi32, #tpu.memory_space<hbm>>
    %dma_start3A_3 = tpu.memref_slice %arg2[%mul3A_2] : memref<16384xi32, #tpu.memory_space<hbm>> -> memref<512xi32, #tpu.memory_space<hbm>>
    tpu.enqueue_dma source(%dma_start3A_3 : memref<512xi32, #tpu.memory_space<hbm>>) target(%arg8 : memref<512xi32, #tpu.memory_space<vmem>>) target_semaphore(%arg15 : memref<!tpu.dma_semaphore, #tpu.memory_space<semaphore_mem>>)
    %dma_start3A_4 = tpu.memref_slice %arg3[%mul3A_2] : memref<16384xi32, #tpu.memory_space<hbm>> -> memref<512xi32, #tpu.memory_space<hbm>>
    %dma_start3A_5 = tpu.memref_slice %arg3[%mul3A_2] : memref<16384xi32, #tpu.memory_space<hbm>> -> memref<512xi32, #tpu.memory_space<hbm>>
    tpu.enqueue_dma source(%dma_start3A_5 : memref<512xi32, #tpu.memory_space<hbm>>) target(%arg9 : memref<512xi32, #tpu.memory_space<vmem>>) target_semaphore(%arg15 : memref<!tpu.dma_semaphore, #tpu.memory_space<semaphore_mem>>)
    tpu.enqueue_dma source(%arg4 : memref<2x3983xf32, #tpu.memory_space<hbm>>) target(%arg10 : memref<2x3983xf32, #tpu.memory_space<vmem>>) target_semaphore(%arg15 : memref<!tpu.dma_semaphore, #tpu.memory_space<semaphore_mem>>)
    tpu.enqueue_dma source(%arg5 : memref<2x3983xf32, #tpu.memory_space<hbm>>) target(%arg11 : memref<2x3983xf32, #tpu.memory_space<vmem>>) target_semaphore(%arg15 : memref<!tpu.dma_semaphore, #tpu.memory_space<semaphore_mem>>)
    %dma_start3A_6 = arith.constant 0 : i32
    %dma_start3A_7 = tpu.memref_slice %arg12[%dma_start3A_6] : memref<64xi32, #tpu.memory_space<vmem>> -> memref<50xi32, #tpu.memory_space<vmem>>
    %dma_start3A_8 = arith.constant 0 : i32
    %dma_start3A_9 = tpu.memref_slice %arg12[%dma_start3A_8] : memref<64xi32, #tpu.memory_space<vmem>> -> memref<50xi32, #tpu.memory_space<vmem>>
    tpu.enqueue_dma source(%arg6 : memref<50xi32, #tpu.memory_space<hbm>>) target(%dma_start3A_9 : memref<50xi32, #tpu.memory_space<vmem>>) target_semaphore(%arg15 : memref<!tpu.dma_semaphore, #tpu.memory_space<semaphore_mem>>)
    %broadcast_in_dim3A = arith.constant 0 : i32
    %broadcast_in_dim3A_10 = vector.broadcast %broadcast_in_dim3A : i32 to vector<16xi32>
    %broadcast_in_dim3A_11 = arith.constant 1 : i32
    %broadcast_in_dim3A_12 = vector.broadcast %broadcast_in_dim3A_11 : i32 to vector<16xi32>
    %iota3A = tpu.iota {dimensions = array<i32: 0>} : vector<16xi32>
    %scan3A = arith.constant 0 : i32
    %scan3A_13 = arith.constant 0 : i32
    %scan3A_14 = arith.constant 248 : i32
    %scan3A_15 = arith.addi %scan3A_13, %scan3A_14 : i32
    %scan3A_16 = arith.constant 4 : i32
    scf.for %scan3A_41 = %scan3A_13 to %scan3A_15 step %scan3A_16  : i32 {
      %mul3A_42 = arith.constant 16 : i32
      %mul3A_43 = arith.muli %scan3A_41, %mul3A_42 : i32
      %swap3A_44 = arith.index_cast %mul3A_43 : i32 to index
      %swap3A_45 = tpu.vector_load %arg13[%swap3A_44] {strides = array<i32>} : memref<3984xi32, #tpu.memory_space<vmem>>, vector<16xi32>,
      tpu.vector_store %arg13[%swap3A_44], %broadcast_in_dim3A_10 {strides = array<i32>} : memref<3984xi32, #tpu.memory_space<vmem>>, vector<16xi32>,
      %scan3A_46 = arith.constant 1 : i32
      %scan3A_47 = arith.addi %scan3A_41, %scan3A_46 : i32
      %mul3A_48 = arith.constant 16 : i32
      %mul3A_49 = arith.muli %scan3A_47, %mul3A_48 : i32
      %swap3A_50 = arith.index_cast %mul3A_49 : i32 to index
      %swap3A_51 = tpu.vector_load %arg13[%swap3A_50] {strides = array<i32>} : memref<3984xi32, #tpu.memory_space<vmem>>, vector<16xi32>,
      tpu.vector_store %arg13[%swap3A_50], %broadcast_in_dim3A_10 {strides = array<i32>} : memref<3984xi32, #tpu.memory_space<vmem>>, vector<16xi32>,
      %scan3A_52 = arith.constant 2 : i32
      %scan3A_53 = arith.addi %scan3A_41, %scan3A_52 : i32
      %mul3A_54 = arith.constant 16 : i32
      %mul3A_55 = arith.muli %scan3A_53, %mul3A_54 : i32
      %swap3A_56 = arith.index_cast %mul3A_55 : i32 to index
      %swap3A_57 = tpu.vector_load %arg13[%swap3A_56] {strides = array<i32>} : memref<3984xi32, #tpu.memory_space<vmem>>, vector<16xi32>,
      tpu.vector_store %arg13[%swap3A_56], %broadcast_in_dim3A_10 {strides = array<i32>} : memref<3984xi32, #tpu.memory_space<vmem>>, vector<16xi32>,
      %scan3A_58 = arith.constant 3 : i32
      %scan3A_59 = arith.addi %scan3A_41, %scan3A_58 : i32
      %mul3A_60 = arith.constant 16 : i32
      %mul3A_61 = arith.muli %scan3A_59, %mul3A_60 : i32
      %swap3A_62 = arith.index_cast %mul3A_61 : i32 to index
      %swap3A_63 = tpu.vector_load %arg13[%swap3A_62] {strides = array<i32>} : memref<3984xi32, #tpu.memory_space<vmem>>, vector<16xi32>,
      tpu.vector_store %arg13[%swap3A_62], %broadcast_in_dim3A_10 {strides = array<i32>} : memref<3984xi32, #tpu.memory_space<vmem>>, vector<16xi32>,
    }
    %scan3A_17 = arith.constant 248 : i32
    %scan3A_18 = arith.addi %scan3A_13, %scan3A_17 : i32
    %mul3A_19 = arith.constant 16 : i32
    %mul3A_20 = arith.muli %scan3A_18, %mul3A_19 : i32
    %swap3A = arith.index_cast %mul3A_20 : i32 to index
    %swap3A_21 = tpu.vector_load %arg13[%swap3A] {strides = array<i32>} : memref<3984xi32, #tpu.memory_space<vmem>>, vector<16xi32>,
    tpu.vector_store %arg13[%swap3A], %broadcast_in_dim3A_10 {strides = array<i32>} : memref<3984xi32, #tpu.memory_space<vmem>>, vector<16xi32>,
    %scan3A_22 = arith.constant 249 : i32
    %dma_wait3A = tpu.memref_slice %arg2[%mul3A_2] : memref<16384xi32, #tpu.memory_space<hbm>> -> memref<512xi32, #tpu.memory_space<hbm>>
    %dma_wait3A_23 = tpu.memref_slice %arg2[%mul3A_2] : memref<16384xi32, #tpu.memory_space<hbm>> -> memref<512xi32, #tpu.memory_space<hbm>>
    tpu.wait_dma2 semaphore(%arg15 : memref<!tpu.dma_semaphore, #tpu.memory_space<semaphore_mem>>) src(%dma_wait3A_23 : memref<512xi32, #tpu.memory_space<hbm>>) dst(%arg8 : memref<512xi32, #tpu.memory_space<vmem>>)
    %dma_wait3A_24 = tpu.memref_slice %arg3[%mul3A_2] : memref<16384xi32, #tpu.memory_space<hbm>> -> memref<512xi32, #tpu.memory_space<hbm>>
    %dma_wait3A_25 = tpu.memref_slice %arg3[%mul3A_2] : memref<16384xi32, #tpu.memory_space<hbm>> -> memref<512xi32, #tpu.memory_space<hbm>>
    tpu.wait_dma2 semaphore(%arg15 : memref<!tpu.dma_semaphore, #tpu.memory_space<semaphore_mem>>) src(%dma_wait3A_25 : memref<512xi32, #tpu.memory_space<hbm>>) dst(%arg9 : memref<512xi32, #tpu.memory_space<vmem>>)
    tpu.wait_dma2 semaphore(%arg15 : memref<!tpu.dma_semaphore, #tpu.memory_space<semaphore_mem>>) src(%arg4 : memref<2x3983xf32, #tpu.memory_space<hbm>>) dst(%arg10 : memref<2x3983xf32, #tpu.memory_space<vmem>>)
    tpu.wait_dma2 semaphore(%arg15 : memref<!tpu.dma_semaphore, #tpu.memory_space<semaphore_mem>>) src(%arg5 : memref<2x3983xf32, #tpu.memory_space<hbm>>) dst(%arg11 : memref<2x3983xf32, #tpu.memory_space<vmem>>)
    %dma_wait3A_26 = arith.constant 0 : i32
    %dma_wait3A_27 = tpu.memref_slice %arg12[%dma_wait3A_26] : memref<64xi32, #tpu.memory_space<vmem>> -> memref<50xi32, #tpu.memory_space<vmem>>
    %dma_wait3A_28 = arith.constant 0 : i32
    %dma_wait3A_29 = tpu.memref_slice %arg12[%dma_wait3A_28] : memref<64xi32, #tpu.memory_space<vmem>> -> memref<50xi32, #tpu.memory_space<vmem>>
    tpu.wait_dma2 semaphore(%arg15 : memref<!tpu.dma_semaphore, #tpu.memory_space<semaphore_mem>>) src(%arg6 : memref<50xi32, #tpu.memory_space<hbm>>) dst(%dma_wait3A_29 : memref<50xi32, #tpu.memory_space<vmem>>)
    %get3A = arith.constant 0 : index
    %get3A_30 = tpu.vector_load %arg12[%get3A] {strides = array<i32>} : memref<64xi32, #tpu.memory_space<vmem>>, vector<16xi32>,
    tpu.vector_store_idx %arg13[%get3A_30], %broadcast_in_dim3A_12 : memref<3984xi32, #tpu.memory_space<vmem>>[vector<16xi32>], vector<16xi32>,
    %get3A_31 = arith.constant 16 : index
    %get3A_32 = tpu.vector_load %arg12[%get3A_31] {strides = array<i32>} : memref<64xi32, #tpu.memory_space<vmem>>, vector<16xi32>,
    tpu.vector_store_idx %arg13[%get3A_32], %broadcast_in_dim3A_12 : memref<3984xi32, #tpu.memory_space<vmem>>[vector<16xi32>], vector<16xi32>,
    %get3A_33 = arith.constant 32 : index
    %get3A_34 = tpu.vector_load %arg12[%get3A_33] {strides = array<i32>} : memref<64xi32, #tpu.memory_space<vmem>>, vector<16xi32>,
    tpu.vector_store_idx %arg13[%get3A_34], %broadcast_in_dim3A_12 : memref<3984xi32, #tpu.memory_space<vmem>>[vector<16xi32>], vector<16xi32>,
    %get3A_35 = arith.constant 48 : index
    %get3A_36 = tpu.vector_load %arg12[%get3A_35] {strides = array<i32>} : memref<64xi32, #tpu.memory_space<vmem>>, vector<16xi32>,
    %broadcast_in_dim3A_37 = arith.constant 2 : i32
    %broadcast_in_dim3A_38 = vector.broadcast %broadcast_in_dim3A_37 : i32 to vector<16xi32>
    %lt3A = arith.cmpi slt, %iota3A, %broadcast_in_dim3A_38 : vector<16xi32>
    tpu.vector_store_idx %arg13[%get3A_36], %broadcast_in_dim3A_12 masked %lt3A : memref<3984xi32, #tpu.memory_space<vmem>>[vector<16xi32>], vector<16xi32>, vector<16xi1>
    %parallel_loop3A = arith.constant 0 : i32
    %parallel_loop3A_39 = arith.constant 512 : i32
    %parallel_loop3A_40 = arith.constant 16 : i32
    scf.for %parallel_loop3A_41 = %parallel_loop3A to %parallel_loop3A_39 step %parallel_loop3A_40  : i32 {
      %parallel_loop3A_42 = arith.index_cast %parallel_loop3A_41 : i32 to index
      %parallel_loop3A_43 = tpu.vector_load %arg8[%parallel_loop3A_42] {strides = array<i32>} : memref<512xi32, #tpu.memory_space<vmem>>, vector<16xi32>,
      %parallel_loop3A_44 = arith.index_cast %parallel_loop3A_41 : i32 to index
      %parallel_loop3A_45 = tpu.vector_load %arg9[%parallel_loop3A_44] {strides = array<i32>} : memref<512xi32, #tpu.memory_space<vmem>>, vector<16xi32>,
      %parallel_loop3A_46 = tpu.vector_load_idx %arg13[%parallel_loop3A_43] : memref<3984xi32, #tpu.memory_space<vmem>>[vector<16xi32>], vector<16xi32>,
      %parallel_loop3A_47 = tpu.vector_load_idx %arg13[%parallel_loop3A_45] : memref<3984xi32, #tpu.memory_space<vmem>>[vector<16xi32>], vector<16xi32>,
      %parallel_loop3A_48 = arith.ori %parallel_loop3A_46, %parallel_loop3A_47 : vector<16xi32>
      %parallel_loop3A_49 = tpu.vector_load_idx %arg10[%parallel_loop3A_48, %parallel_loop3A_43] : memref<2x3983xf32, #tpu.memory_space<vmem>>[vector<16xi32>, vector<16xi32>], vector<16xf32>,
      %parallel_loop3A_50 = tpu.vector_load_idx %arg10[%parallel_loop3A_48, %parallel_loop3A_45] : memref<2x3983xf32, #tpu.memory_space<vmem>>[vector<16xi32>, vector<16xi32>], vector<16xf32>,
      %parallel_loop3A_51 = tpu.vector_load_idx %arg11[%parallel_loop3A_48, %parallel_loop3A_43] : memref<2x3983xf32, #tpu.memory_space<vmem>>[vector<16xi32>, vector<16xi32>], vector<16xf32>,
      %parallel_loop3A_52 = tpu.vector_load_idx %arg11[%parallel_loop3A_48, %parallel_loop3A_45] : memref<2x3983xf32, #tpu.memory_space<vmem>>[vector<16xi32>, vector<16xi32>], vector<16xf32>,
      %parallel_loop3A_53 = arith.mulf %parallel_loop3A_49, %parallel_loop3A_50 : vector<16xf32>
      %parallel_loop3A_54 = arith.addf %parallel_loop3A_53, %parallel_loop3A_51 : vector<16xf32>
      %parallel_loop3A_55 = arith.addf %parallel_loop3A_54, %parallel_loop3A_52 : vector<16xf32>
      %parallel_loop3A_56 = arith.index_cast %parallel_loop3A_41 : i32 to index
      %parallel_loop3A_57 = tpu.vector_load %arg14[%parallel_loop3A_56] {strides = array<i32>} : memref<512xf32, #tpu.memory_space<vmem>>, vector<16xf32>,
      tpu.vector_store %arg14[%parallel_loop3A_56], %parallel_loop3A_55 {strides = array<i32>} : memref<512xf32, #tpu.memory_space<vmem>>, vector<16xf32>,
    } {sc.loop_unroll_factor = 4 : i64, sc.parallel_access}
    "tpu.region"() ({
      %run_scoped3A = tpu.sem_alloc : memref<!tpu.dma_semaphore, #tpu.memory_space<semaphore_mem>>
      %dma_start3A_41 = tpu.memref_slice %arg7[%mul3A_2] : memref<16384xf32, #tpu.memory_space<hbm>> -> memref<512xf32, #tpu.memory_space<hbm>>
      %dma_start3A_42 = tpu.memref_slice %arg7[%mul3A_2] : memref<16384xf32, #tpu.memory_space<hbm>> -> memref<512xf32, #tpu.memory_space<hbm>>
      tpu.enqueue_dma source(%arg14 : memref<512xf32, #tpu.memory_space<vmem>>) target(%dma_start3A_42 : memref<512xf32, #tpu.memory_space<hbm>>) target_semaphore(%run_scoped3A : memref<!tpu.dma_semaphore, #tpu.memory_space<semaphore_mem>>)
      %dma_wait3A_43 = tpu.memref_slice %arg7[%mul3A_2] : memref<16384xf32, #tpu.memory_space<hbm>> -> memref<512xf32, #tpu.memory_space<hbm>>
      %dma_wait3A_44 = tpu.memref_slice %arg7[%mul3A_2] : memref<16384xf32, #tpu.memory_space<hbm>> -> memref<512xf32, #tpu.memory_space<hbm>>
      tpu.wait_dma2 semaphore(%run_scoped3A : memref<!tpu.dma_semaphore, #tpu.memory_space<semaphore_mem>>) src(%arg14 : memref<512xf32, #tpu.memory_space<vmem>>) dst(%dma_wait3A_44 : memref<512xf32, #tpu.memory_space<hbm>>)
      tpu.yield
    }) : () -> ()
    return
  }
}

</mosaic_0001>

<sc_bundles>
// kernel: kernel.3.cloned.1.call-start
scs
__scs_entry_jumppad:
0x0: {  	(pc) =	sbr.rel $0x88, $3  }
0x1: {  	(tag) =	ssettag $0x0;
	lr =	simm.s32 $0x1  }
0x2: {  	[smem:$0x3F9D] =	sst lr;
	_ =	strace $0xD0000000  }
0x3: {  	_ = 	snop  }
0x4: {  	_ = 	snop  }
0x5: {  	_ = 	snop  }
0x6: {  	_ = 	snop  }
0x7: {  	_ = 	snop  }
__scs_overlays_trampoline_lowered:
0x8: {  	[smem:$0x3FAC] =	sst s0  }
0x9: {  	[smem:$0x3FAD] =	sst s1  }
0xa: {  	[smem:$0x3FAE] =	sst s2  }
0xb: {  	[smem:$0x3FAF] =	sst s3  }
0xc: {  	[smem:$0x3FB0] =	sst s4  }
0xd: {  	[smem:$0x3FB1] =	sst s5  }
0xe: {  	[smem:$0x3FB2] =	sst s6  }
0xf: {  	[smem:$0x3FB3] =	sst s7  }
0x10: {  	[smem:$0x3FB4] =	sst s8  }
0x11: {  	[smem:$0x3FB5] =	sst s9;
	s0 =	simm.s32 @!p0 $0x0  }
0x12: {  	s1 =	sld [smem:$0x3F9B];
	s0 =	simm.s32 @p0 $0x1  }
0x13: {  	[smem:$0x3FB6] =	sst s0;
	s0 =	simm.s32 @!p1 $0x0  }
0x14: {  	s2 =	sld [smem:$0x3F9A];
	s0 =	simm.s32 @p1 $0x1  }
0x15: {  	[smem:$0x3FB7] =	sst s0;
	s0 =	simm.s32 @!p2 $0x0  }
0x16: {  	s3 =	sld [smem:$0x3FDB];
	s0 =	simm.s32 @p2 $0x1  }
0x17: {  	s4 =	simm.s32 $0x1BF5;
	[smem:$0x3FB9] =	sst s0  }
0x18: {  	s0 =	sld [smem:$0x3F9C];
	_ =	swait.ge [sflag:s4], $0x0  }
0x19: {  	s7 =	sld [smem:$0x3F9D]  }
0x1a: {  	s8 =	sadd.s32 $0xFFFFE003, lr  }
0x1b: {  	s9 =	sadd.s32 $0xFFFFFEF7, lr;
	s5 =	simm.s32 $0xFFFFFFFF;
	p2 =	slt.u32 s8, $0xFFFFF086  }
0x1c: {  	p1 =	slt.u32 s9, $0xF7A;
	s5 =	simm.s32 @!p2 $0x0  }
0x1d: {  	s5 =	simm.s32 @p1 $0x1;
	p0 =	seq.s32 s7, s2  }
0x1e: {  	s7 =	smul.u32 @!p0 $0xF7A, s2;
	p2 =	seq.s32 @!p0 s5, $0x0  }
0x1f: {  	s9 =	smul.u32 $0xF7A, s1;
	s8 =	simm.s32 @!p0 $0x1BF5;
	p2 =	por !p2, p0  }
0x20: {  	[sflag:s8] =	ssyncset.s32 @!p0 $0xFFFFF086;
	s6 =	sadd.s32 @!p0 s3, s7;
	s7 =	simm.s32 @!p0 $0x108  }
0x21: {  	s3 =	sadd.s32 s3, s9;
	s6 =	sadd.s32 @!p0 $0x88, s6;
	s7 =	simm.s32 @p2 $0x1082  }
0x22: {  	[simem:s7], [sflag:s8] =	dma.local @!p0 [hbm:s6], $0xF7A  }
0x23: {  	s9 =	sor.u32 $0xD0000000, s2;
	s6 =	simm.s32 $0x108;
	_ =	swait.ge @!p0 [sflag:s8], $0x0  }
0x24: {  	s3 =	sadd.s32 $0x88, s3;
	s6 =	simm.s32 @!p1 $0x1082;
	[sflag:s4] =	ssyncset.s32 $0xFFFFF086  }
0x25: {  	[simem:s6], [sflag:s4] =	dma.local [hbm:s3], $0xF7A  }
0x26: {  	[smem:$0x3F9D] =	sst s1;
	(tag) =	ssettag s2;
	_ =	strace s9  }
0x27: {  	s1 =	sld [smem:$0x3FAD]  }
0x28: {  	s2 =	sld [smem:$0x3FAE]  }
0x29: {  	s4 =	sld [smem:$0x3FB0]  }
0x2a: {  	p0 =	seq.s32 s5, $0x0;
	s5 =	sld [smem:$0x3FB1]  }
0x2b: {  	s6 =	sld [smem:$0x3FB2]  }
0x2c: {  	s7 =	sld [smem:$0x3FB3]  }
0x2d: {  	s3 =	simm.s32 $0x108;
	s8 =	sld [smem:$0x3FB4]  }
0x2e: {  	s3 =	simm.s32 @!p0 $0x1082;
	s9 =	sld [smem:$0x3FB5]  }
0x2f: {  	lr =	sadd.s32 s0, s3;
	s0 =	sld [smem:$0x3FAC]  }
0x30: {  	s3 =	sld [smem:$0x3FAF]  }
0x31: {  	[smem:$0x3FB8] =	sst s10  }
0x32: {  	s10 =	sld [smem:$0x3FB6];
	_ =	sdelay $0x3  }
0x33: {  	p0 =	seq.s32 s10, $0x1;
	s10 =	sld [smem:$0x3FB8];
	_ =	sdelay $0x3  }
0x34: {  	[smem:$0x3FB8] =	sst s10  }
0x35: {  	s10 =	sld [smem:$0x3FB7];
	_ =	sdelay $0x3  }
0x36: {  	p1 =	seq.s32 s10, $0x1;
	s10 =	sld [smem:$0x3FB8];
	_ =	sdelay $0x3  }
0x37: {  	[smem:$0x3FB8] =	sst s10  }
0x38: {  	s10 =	sld [smem:$0x3FB9]  }
0x39: {  	_ = 	snop;
	(pc) =	sbr.ind lr, $3  }
0x3a: {  	_ = 	snop  }
0x3b: {  	_ = 	snop  }
0x3c: {  	p2 =	seq.s32 s10, $0x1;
	s10 =	sld [smem:$0x3FB8]  }
0x3d: {  	_ =	shalt  }
0x3e: {  	_ =	shalt  }
0x3f: {  	_ =	shalt  }
0x40: {  	_ =	shalt  }
0x41: {  	_ =	shalt  }
0x42: {  	_ =	shalt  }
0x43: {  	_ =	shalt  }
0x44: {  	_ =	shalt  }
0x45: {  	_ =	shalt  }
0x46: {  	_ =	shalt  }
0x47: {  	_ =	shalt  }
0x48: {  	_ =	shalt  }
0x49: {  	_ =	shalt  }
0x4a: {  	_ =	shalt  }
0x4b: {  	_ =	shalt  }
0x4c: {  	_ =	shalt  }
0x4d: {  	_ =	shalt  }
0x4e: {  	_ =	shalt  }
0x4f: {  	_ =	shalt  }
0x50: {  	_ =	shalt  }
0x51: {  	_ =	shalt  }
0x52: {  	_ =	shalt  }
0x53: {  	_ =	shalt  }
0x54: {  	_ =	shalt  }
0x55: {  	_ =	shalt  }
0x56: {  	_ =	shalt  }
0x57: {  	_ =	shalt  }
0x58: {  	_ =	shalt  }
0x59: {  	_ =	shalt  }
0x5a: {  	_ =	shalt  }
0x5b: {  	_ =	shalt  }
0x5c: {  	_ =	shalt  }
0x5d: {  	_ =	shalt  }
0x5e: {  	_ =	shalt  }
0x5f: {  	_ =	shalt  }
0x60: {  	_ =	shalt  }
0x61: {  	_ =	shalt  }
0x62: {  	_ =	shalt  }
0x63: {  	_ =	shalt  }
0x64: {  	_ =	shalt  }
0x65: {  	_ =	shalt  }
0x66: {  	_ =	shalt  }
0x67: {  	_ =	shalt  }
0x68: {  	_ =	shalt  }
0x69: {  	_ =	shalt  }
0x6a: {  	_ =	shalt  }
0x6b: {  	_ =	shalt  }
0x6c: {  	_ =	shalt  }
0x6d: {  	_ =	shalt  }
0x6e: {  	_ =	shalt  }
0x6f: {  	_ =	shalt  }
0x70: {  	_ =	shalt  }
0x71: {  	_ =	shalt  }
0x72: {  	_ =	shalt  }
0x73: {  	_ =	shalt  }
0x74: {  	_ =	shalt  }
0x75: {  	_ =	shalt  }
0x76: {  	_ =	shalt  }
0x77: {  	_ =	shalt  }
0x78: {  	_ =	shalt  }
0x79: {  	_ =	shalt  }
0x7a: {  	_ =	shalt  }
0x7b: {  	_ =	shalt  }
0x7c: {  	_ =	shalt  }
0x7d: {  	_ =	shalt  }
0x7e: {  	_ =	shalt  }
0x7f: {  	_ =	shalt  }
0x80: {  	_ =	shalt  }
0x81: {  	_ =	shalt  }
0x82: {  	_ =	shalt  }
0x83: {  	_ =	shalt  }
0x84: {  	_ =	shalt  }
0x85: {  	_ =	shalt  }
0x86: {  	_ =	shalt  }
0x87: {  	_ =	shalt  }
.Lfunc_end0:
.L_simem_size_0:
called_computation_lowered:
.L_overlay_start_0:
0x88: {  	s2 =	sld [smem:$0x3FD9]  }
0x89: {  	s3 =	sld [smem:$0x3FFE];
	_ =	sdelay $0x1  }
0x8a: {  	s1 =	srdreg.scid  }
0x8b: {  	s0 =	sand.u32 $0x1, s1  }
0x8c: {  	s17 =	sshll.u32 s0, $0xA;
	s2 =	sadd.s32 s3, s2  }
0x8d: {  	s2 =	sadd.s32 s2, s17  }
0x8e: {  	[smem:$0x3FC4] =	sst s2  }
0x8f: {  	_ = 	snop  }
0x90: {  	s2 =	sld [smem:$0x3FC8]  }
0x91: {  	s18 =	sld [smem:$0x3FC7]  }
0x92: {  	s4 =	sld [smem:$0x3FC6]  }
0x93: {  	s5 =	sld [smem:$0x3FD0];
	(tm) =	ssettm $0x1  }
0x94: {  	s6 =	sld [smem:$0x3FFB];
	_ =	sdelay $0x3  }
0x95: {  	_ =	strace s6  }
0x96: {  	s6 =	sld [smem:$0x3FFC];
	_ =	sdelay $0x3  }
0x97: {  	_ =	strace s6  }
0x98: {  	s6 =	sld [smem:$0x3FFD];
	_ =	sdelay $0x3  }
0x99: {  	_ =	strace s6  }
0x9a: {  	_ =	strace $0x8FFFFFFF  }
0x9b: {  	s19 =	sld [smem:$0x3FDB];
	_ =	sdelay $0x1  }
0x9c: {  	s7 =	simm.s32 $_scs_section_size  }
0x9d: {  	s8 =	simm.s32 $_size__tile_overlayer_lowered;
	s9 =	simm.s32 $_tile_overlayer_lowered  }
0x9e: {  	s22 =	simm.s32 $0x1BFF;
	s21 =	sshll.u32 s9, $0x1;
	s6 =	sadd.s32 s7, s19  }
0x9f: {  	s10 =	simm.s32 $0x0;
	s20 =	sshll.u32 s8, $0x1;
	s8 =	sadd.s32 s21, s6  }
0xa0: {  	[timem:s10], [sflag:s22] =	dma.local [hbm:s8], s20  }
0xa1: {  	_ =	swait.ge [sflag:s22], s20  }
0xa2: {  	s7 =	ssub.s32 $0x0, s20;
	[sflag:s22] =	ssyncset.done $0x0  }
0xa3: {  	[sflag:s22] =	ssyncadd.s32 s7;
	_ =	sdelay $0x1  }
0xa4: {  	s23 =	simm.s32 $0x1B8B  }
0xa5: {  	_ =	swait.ge [sflag:s23], $0x1  }
0xa6: {  	[sflag:s23] =	ssyncset.done $0x0  }
0xa7: {  	s25 =	simm.s32 $0x1B8E;
	s24 =	sld [smem:$0x3FFE];
	[sflag:s23] =	ssyncadd.s32 $0xFFFFFFFF  }
0xa8: {  	s26 =	simm.s32 $execute0_lowered;
	[smem:$0x3FD2] =	sst s25  }
0xa9: {  	s8 =	sshll.u32 s26, $0x1;
	_ =	strace $0x80000046;
	[dreg:$0x1] =	wrdreg $0xFFFFFFFF  }
0xaa: {  	s28 =	simm.s32 $_size_execute0_lowered;
	s6 =	sadd.s32 s6, s8;
	[dreg:$0x0] =	wrdreg $0x0  }
0xab: {  	s8 =	sshll.u32 s28, $0x1;
	[dreg:$0x2] =	wrdreg s6  }
0xac: {  	[dreg:$0x3] =	wrdreg s8  }
0xad: {  	[dreg:$0x4] =	wrdreg $0xC0  }
0xae: {  	_ =	task [dreg:s10], $0x5FFFF  }
0xaf: {  	[dreg:$0x1] =	wrdreg $0xFFFFFFFF  }
0xb0: {  	[dreg:$0x0] =	wrdreg $0x60  }
0xb1: {  	[dreg:$0x2] =	wrdreg s24  }
0xb2: {  	[dreg:$0x3] =	wrdreg s2  }
0xb3: {  	[dreg:$0x4] =	wrdreg s18  }
0xb4: {  	[dreg:$0x5] =	wrdreg s4  }
0xb5: {  	[dreg:$0x6] =	wrdreg s5  }
0xb6: {  	[dreg:$0x7] =	wrdreg $0x9  }
0xb7: {  	_ =	task.clear_ibuf [dreg:s10], $0x8FFFF;
	_ =	strace $0x90000046  }
0xb8: {  	s29 =	simm.s32 $0x9;
	_ =	strace $0x80000048  }
0xb9: {  	_ =	swait.ge [sflag:s29], $0x1  }
0xba: {  	[sflag:s29] =	ssyncadd.s32 $0xFFFFFFFF  }
0xbb: {  	_ =	strace $0x90000048  }
0xbc: {  	_ =	sfence  }
0xbd: {  	s30 =	sld [smem:$0x0];
	_ =	sdelay $0x2  }
0xbe: {  	s31 =	sshll.u32 s1, $0xD;
	s1 =	sshrl.u32 s1, $0x2  }
0xbf: {  	s3 =	sand.u32 $0x4000, s31;
	s1 =	sadd.s32 s1, s30  }
0xc0: {  	s0 =	sor.u32 s3, s0;
	s1 =	sshll.u32 s1, $0x11  }
0xc1: {  	s0 =	sor.u32 s1, s0  }
0xc2: {  	s0 =	sadd.s32 $0x8F2B, s0  }
0xc3: {  	[sflag:s0] =	ssyncadd.remote.s32 $0x1  }
0xc4: {  	_ =	sfence.sel $0xFFFF  }
0xc5: {  	[dreg:$0x0] =	wrdreg $0xFFFFFFFF;
	(pc) =	sbr.abs _section_cstart, $3  }
0xc6: {  	[dreg:$0x1] =	wrdreg $0xFFFFFFFF  }
0xc7: {  	_ =	task.clear_ibuf [dreg:s10], $0x2FFFF;
	_ =	strace $0x9FFFFFFF  }
0xc8: {  	(tm) =	ssettm $0x7FFFFFFF  }
0xc9: {  	_ =	shalt  }
tec
execute0_lowered:
.L_overlay_start_1:
0x0: {  	(tag) =	ssettag $0x1  }
0x1: {  	s6 =	rddreg [dreg:$0x0]  }
0x2: {  	s0 =	rddreg [dreg:$0x1]  }
0x3: {  	s3 =	rddreg [dreg:$0x2]  }
0x4: {  	s4 =	rddreg [dreg:$0x3];
	s1 =	srdreg.scid  }
0x5: {  	s8 =	rddreg [dreg:$0x4];
	s2 =	stileid.u32;
	s5 =	simm.s32 $0x0  }
0x6: {  	s12 =	simm.s32 $0x2400;
	s13 =	simm.s32 $0x4400;
	s14 =	simm.s32 $0x1  }
0x7: {  	s15 =	simm.s32 $0x4480;
	s16 =	simm.s32 $0x5480;
	s17 =	simm.s32 $0x2  }
0x8: {  	s18 =	simm.s32 $0x0;
	s7 =	sand.u32 $0x1, s1;
	s1 =	rddreg [dreg:$0x5]  }
0x9: {  	s9 =	sshll.u32 s2, $0x7;
	s10 =	sshll.u32 s7, $0x6;
	s7 =	ssub.s32 $0x2, s7  }
0xa: {  	[smem:$0x7FF] =	sst s5;
	s9 =	sor.u32 s10, s9;
	s31 =	sshrl.u32 s7, $0x1  }
0xb: {  	_ =	strace $0x80000047;
	s10 =	sadd.s32 s9, s6;
	s11 =	ssub.s32 s7, s31  }
0xc: {  	s8 =	sadd.s32 s8, s9;
	s6 =	sadd.s32 $0xE00, s10;
	s7 =	sadd.s32 $0x600, s10  }
0xd: {  	v0 =	vimm.s32 $0x0;
	v1 =	vimm.s32 $0x1;
	s9 =	smax.u32 s11, $0x1;
	s10 =	simm.s32 $0x200;
	s11 =	simm.s32 $0x400  }
.LBB2_1:
0xe: {  	[tilespmem:s5], [sflag:$0x1] =	stream.linear.gather [hbm4b:s6+s5], $0x200, $0x38;
	[tilespmem:$0x5680] =	vst v63  }
0xf: {  	_ = 	snop  }
0x10: {  	[tilespmem:s10], [sflag:$0x1] =	stream.linear.gather [hbm4b:s7+s5], $0x200, $0x38;
	[tilespmem:$0x5680] =	vst v63  }
0x11: {  	_ = 	snop  }
0x12: {  	[tilespmem:s11], [sflag:$0x1] =	stream.linear.gather [hbm4b:s0+s5], $0x2000, $0x38;
	[tilespmem:$0x5680] =	vst v63  }
0x13: {  	_ = 	snop  }
0x14: {  	[tilespmem:s12], [sflag:$0x1] =	stream.linear.gather [hbm4b:s3+s5], $0x2000, $0x38;
	[tilespmem:$0x5680] =	vst v63  }
0x15: {  	s19 =	simm.s32 $0x44A0  }
0x16: {  	[tilespmem:s13], [sflag:$0x1] =	stream.linear.gather [hbm4b:s4+s5], $0x32, $0x38;
	[tilespmem:$0x5680] =	vst v63  }
0x17: {  	[tilespmem:s19+$0xFFFFFFE0] =	vst v0  }
0x18: {  	[tilespmem:s19+$0x10] =	vst v0  }
0x19: {  	s20 =	simm.s32 $0x0;
	[tilespmem:s19+$0x0] =	vst v0  }
.LBB2_2:
0x1a: {  	s20 =	sadd.s32 $0x4, s20  }
0x1b: {  	[tilespmem:s19+$0xFFFFFFF0] =	vst v0;
	s19 =	sadd.s32 $0x40, s19;
	p0 =	slt.u32 s20, $0xF4  }
.Ltmp0:
0x1c: {  	[tilespmem:s19+$0xFFFFFFE0] =	vst v0;
	(pc) =	sbr.rel @p0 .LBB2_2-.Ltmp0, $3  }
0x1d: {  	_ =	sdelay $0x1  }
0x1e: {  	[tilespmem:s19+$0x10] =	vst v0  }
0x1f: {  	[tilespmem:s19+$0x0] =	vst v0  }
0x20: {  	[tilespmem:s19+$0xFFFFFFF0] =	vst v0  }
0x21: {  	[tilespmem:$0x5400] =	vst v0  }
0x22: {  	_ =	swait.ge [sflag:s14], $0x200  }
0x23: {  	[sflag:s14] =	ssyncset.done $0x0  }
0x24: {  	[sflag:s14] =	ssyncadd.s32 $0xFFFFFE00  }
0x25: {  	_ =	swait.ge [sflag:s14], $0x200  }
0x26: {  	[sflag:s14] =	ssyncset.done $0x0  }
0x27: {  	[sflag:s14] =	ssyncadd.s32 $0xFFFFFE00  }
0x28: {  	_ =	swait.ge [sflag:s14], $0x2000  }
0x29: {  	[sflag:s14] =	ssyncset.done $0x0  }
0x2a: {  	[sflag:s14] =	ssyncadd.s32 $0xFFFFE000  }
0x2b: {  	_ =	swait.ge [sflag:s14], $0x2000  }
0x2c: {  	[sflag:s14] =	ssyncset.done $0x0  }
0x2d: {  	[sflag:s14] =	ssyncadd.s32 $0xFFFFE000  }
0x2e: {  	_ =	swait.ge [sflag:s14], $0x32  }
0x2f: {  	[sflag:s14] =	ssyncset.done $0x0  }
0x30: {  	[sflag:s14] =	ssyncadd.s32 $0xFFFFFFCE  }
0x31: {  	v2 =	vld [tilespmem:$0x4400];
	_ =	sdelay $0x7  }
0x32: {  	[tilespmem:v2+s15+$0x0] =	vst.idx.msk $0xffff, v1  }
0x33: {  	v2 =	vld [tilespmem:$0x4410];
	_ =	sdelay $0x7  }
0x34: {  	[tilespmem:v2+s15+$0x0] =	vst.idx.msk $0xffff, v1  }
0x35: {  	v2 =	vld [tilespmem:$0x4420];
	_ =	sdelay $0x7  }
0x36: {  	[tilespmem:v2+s15+$0x0] =	vst.idx.msk $0xffff, v1  }
0x37: {  	v2 =	vld [tilespmem:$0x4430];
	_ =	sdelay $0x7  }
0x38: {  	s30 =	simm.s32 $0x20;
	[tilespmem:v2+s15+$0x0] =	vst.idx.msk $0x3, v1  }
0x39: {  	s20 =	simm.s32 $0x220;
	v2 =	vld [tilespmem:s30+$0x10]  }
0x3a: {  	v3 =	vld [tilespmem:s20+$0x10];
	_ =	sdelay $0x3  }
0x3b: {  	v4 =	vld [tilespmem:s20+$0xFFFFFFE0]  }
0x3c: {  	v5 =	vld [tilespmem:s30+$0xFFFFFFF0]  }
0x3d: {  	v8 =	vld [tilespmem:s20+$0xFFFFFFF0]  }
0x3e: {  	v6 =	vld.idx.msk [tilespmem:v2+s15+$0x0], $0xffff  }
0x3f: {  	v7 =	vld.idx.msk [tilespmem:v3+s15+$0x0], $0xffff;
	_ =	sdelay $0x1  }
0x40: {  	v11 =	vld [tilespmem:s20+$0x0]  }
0x41: {  	v10 =	vld [tilespmem:s30+$0xFFFFFFE0]  }
0x42: {  	v9 =	vld [tilespmem:s30+$0x0];
	v12 =	vand.u32 $0x7F, v4  }
0x43: {  	v14 =	vand.u32 $0x7F, v2;
	v2 =	vshll.u32 v2, $0x1;
	v6 =	vor.u32 v6, v7  }
0x44: {  	v13 =	vshll.u32 v4, $0x1;
	v2 =	vand.u32 $0xFFFFFF00, v2;
	v15 =	vshll.u32 v6, $0xC  }
0x45: {  	v16 =	vld.idx.msk [tilespmem:v5+s15+$0x0], $0xffff;
	v7 =	vand.u32 $0x7F, v3;
	v3 =	vshll.u32 v3, $0x1;
	v15 =	vand.u32 $0xFFFFE000, v15  }
0x46: {  	v17 =	vld.idx.msk [tilespmem:v8+s15+$0x0], $0xffff;
	v6 =	vshll.u32 v6, $0x7;
	v3 =	vand.u32 $0xFFFFFF00, v3;
	v2 =	vadd.s32 v2, v15  }
0x47: {  	v4 =	vld.idx.msk [tilespmem:v4+s15+$0x0], $0xffff;
	v6 =	vand.u32 $0x80, v6;
	v3 =	vadd.s32 v3, v15;
	v2 =	vor.u32 v14, v2  }
0x48: {  	v19 =	vand.u32 $0x7F, v9;
	v18 =	vld.idx.msk [tilespmem:v11+s15+$0x0], $0xffff;
	v3 =	vor.u32 v7, v3;
	v2 =	vor.u32 v6, v2  }
0x49: {  	v20 =	vand.u32 $0x7F, v11;
	v11 =	vshll.u32 v11, $0x1;
	v15 =	vld.idx.msk [tilespmem:v10+s15+$0x0], $0xffff;
	v3 =	vor.u32 v6, v3  }
0x4a: {  	v21 =	vand.u32 $0x7F, v10;
	v13 =	vand.u32 $0xFFFFFF00, v13;
	v11 =	vand.u32 $0xFFFFFF00, v11;
	v14 =	vld.idx.msk [tilespmem:v9+s15+$0x0], $0xffff  }
0x4b: {  	v16 =	vor.u32 v16, v17;
	v10 =	vshll.u32 v10, $0x1;
	v7 =	vand.u32 $0x7F, v5  }
0x4c: {  	v5 =	vshll.u32 v5, $0x1;
	v9 =	vshll.u32 v9, $0x1;
	v10 =	vand.u32 $0xFFFFFF00, v10  }
0x4d: {  	v6 =	vand.u32 $0x7F, v8;
	v5 =	vand.u32 $0xFFFFFF00, v5;
	v8 =	vshll.u32 v8, $0x1;
	v22 =	vld.idx.msk [tilespmem:v2+s11+$0x0], $0xffff  }
0x4e: {  	v9 =	vand.u32 $0xFFFFFF00, v9;
	v8 =	vand.u32 $0xFFFFFF00, v8;
	v4 =	vor.u32 v15, v4;
	v15 =	vld.idx.msk [tilespmem:v3+s11+$0x0], $0xffff  }
0x4f: {  	v14 =	vor.u32 v14, v18;
	v17 =	vshll.u32 v4, $0xC;
	v18 =	vshll.u32 v16, $0xC;
	v2 =	vld.idx.msk [tilespmem:v2+s12+$0x0], $0xffff  }
0x50: {  	s31 =	simm.s32 $0x60;
	v4 =	vshll.u32 v4, $0x7;
	v23 =	vshll.u32 v14, $0xC;
	v17 =	vand.u32 $0xFFFFE000, v17;
	v3 =	vld.idx.msk [tilespmem:v3+s12+$0x0], $0xffff  }
0x51: {  	s19 =	simm.s32 $0x260;
	v18 =	vand.u32 $0xFFFFE000, v18;
	v10 =	vadd.s32 v10, v17;
	v13 =	vadd.s32 v13, v17;
	v17 =	vld [tilespmem:s31+$0x10]  }
0x52: {  	v23 =	vand.u32 $0xFFFFE000, v23;
	v5 =	vadd.s32 v5, v18;
	v8 =	vadd.s32 v8, v18;
	v18 =	vld [tilespmem:s19+$0x10]  }
0x53: {  	v16 =	vshll.u32 v16, $0x7;
	v9 =	vadd.s32 v9, v23;
	v11 =	vadd.s32 v11, v23;
	v23 =	vld [tilespmem:s19+$0xFFFFFFE0]  }
0x54: {  	v14 =	vshll.u32 v14, $0x7;
	v4 =	vand.u32 $0x80, v4;
	v12 =	vor.u32 v12, v13;
	v13 =	vld [tilespmem:s31+$0xFFFFFFF0]  }
0x55: {  	v16 =	vand.u32 $0x80, v16;
	v5 =	vor.u32 v7, v5;
	v6 =	vor.u32 v6, v8;
	v8 =	vld [tilespmem:s19+$0xFFFFFFF0]  }
0x56: {  	v7 =	vor.u32 v19, v9;
	v9 =	vor.u32 v20, v11;
	v20 =	vor.u32 v16, v5;
	v5 =	vld [tilespmem:s31+$0xFFFFFFE0]  }
0x57: {  	v14 =	vand.u32 $0x80, v14;
	v10 =	vor.u32 v21, v10;
	v11 =	vmul.f32 v15, v22;
	v15 =	vld [tilespmem:s31+$0x0]  }
0x58: {  	v10 =	vor.u32 v4, v10;
	v19 =	vld [tilespmem:s19+$0x0];
	v4 =	vor.u32 v4, v12;
	v21 =	vor.u32 v16, v6  }
0x59: {  	v16 =	vor.u32 v14, v7;
	v24 =	vor.u32 v14, v9;
	v34 =	vshll.u32 v18, $0x1;
	v6 =	vld.idx.msk [tilespmem:v17+s15+$0x0], $0xffff  }
0x5a: {  	v2 =	vadd.f32 v2, v11;
	v7 =	vshll.u32 v23, $0x1;
	v25 =	vand.u32 $0x7F, v13;
	v9 =	vld.idx.msk [tilespmem:v18+s15+$0x0], $0xffff  }
0x5b: {  	v34 =	vand.u32 $0xFFFFFF00, v34;
	v22 =	vand.u32 $0xFFFFFF00, v7;
	v7 =	vshll.u32 v13, $0x1;
	v14 =	vld.idx.msk [tilespmem:v23+s15+$0x0], $0xffff  }
0x5c: {  	v11 =	vshll.u32 v5, $0x1;
	v2 =	vadd.f32 v3, v2;
	v3 =	vand.u32 $0x7F, v23;
	v12 =	vld.idx.msk [tilespmem:v13+s15+$0x0], $0xffff  }
0x5d: {  	v26 =	vand.u32 $0xFFFFFF00, v7;
	v7 =	vshll.u32 v8, $0x1;
	v23 =	vand.u32 $0x7F, v8;
	v8 =	vld.idx.msk [tilespmem:v8+s15+$0x0], $0xffff  }
0x5e: {  	v29 =	vand.u32 $0x7F, v19;
	v31 =	vand.u32 $0x7F, v5;
	v33 =	vand.u32 $0xFFFFFF00, v11;
	v32 =	vld.idx.msk [tilespmem:v5+s15+$0x0], $0xffff  }
0x5f: {  	v27 =	vand.u32 $0xFFFFFF00, v7;
	v28 =	vand.u32 $0x7F, v15;
	v7 =	vshll.u32 v15, $0x1;
	v13 =	vld.idx.msk [tilespmem:v15+s15+$0x0], $0xffff  }
0x60: {  	v30 =	vand.u32 $0xFFFFFF00, v7;
	v7 =	vshll.u32 v19, $0x1;
	v15 =	vld.idx.msk [tilespmem:v19+s15+$0x0], $0xffff;
	v9 =	vor.u32 v6, v9  }
0x61: {  	v5 =	vld.idx.msk [tilespmem:v10+s11+$0x0], $0xffff;
	v19 =	vand.u32 $0xFFFFFF00, v7;
	v7 =	vshll.u32 v17, $0x1;
	v6 =	vshll.u32 v9, $0xC  }
0x62: {  	v7 =	vand.u32 $0xFFFFFF00, v7;
	v8 =	vor.u32 v12, v8;
	v12 =	vld.idx.msk [tilespmem:v16+s11+$0x0], $0xffff;
	v11 =	vand.u32 $0xFFFFE000, v6  }
0x63: {  	v17 =	vand.u32 $0x7F, v17;
	v9 =	vshll.u32 v9, $0x7;
	v16 =	vld.idx.msk [tilespmem:v16+s12+$0x0], $0xffff;
	v7 =	vadd.s32 v7, v11  }
0x64: {  	v18 =	vand.u32 $0x7F, v18;
	v6 =	vld.idx.msk [tilespmem:v4+s11+$0x0], $0xffff;
	v9 =	vand.u32 $0x80, v9;
	v17 =	vor.u32 v17, v7  }
0x65: {  	v34 =	vadd.s32 v34, v11;
	v11 =	vld.idx.msk [tilespmem:v21+s11+$0x0], $0xffff;
	v56 =	vor.u32 v13, v15;
	v35 =	vor.u32 v9, v17  }
0x66: {  	v7 =	vld.idx.msk [tilespmem:v20+s11+$0x0], $0xffff;
	v17 =	vor.u32 v18, v34;
	v18 =	vor.u32 v32, v14;
	v57 =	vshll.u32 v56, $0xC  }
0x67: {  	v13 =	vld.idx.msk [tilespmem:v24+s11+$0x0], $0xffff;
	v32 =	vshll.u32 v56, $0x7;
	v9 =	vor.u32 v9, v17;
	v15 =	vshll.u32 v18, $0xC  }
0x68: {  	v14 =	vld.idx.msk [tilespmem:v10+s12+$0x0], $0xffff;
	v17 =	vshll.u32 v8, $0xC;
	v34 =	vand.u32 $0xFFFFE000, v57;
	v18 =	vshll.u32 v18, $0x7  }
0x69: {  	s20 =	simm.s32 $0x54A0;
	v8 =	vshll.u32 v8, $0x7;
	v63 =	vand.u32 $0x80, v32;
	v10 =	vand.u32 $0xFFFFE000, v15;
	v15 =	vld.idx.msk [tilespmem:v20+s12+$0x0], $0xffff  }
0x6a: {  	[tilespmem:s20+$0x10] =	vst v2;
	v17 =	vand.u32 $0xFFFFE000, v17;
	v59 =	vadd.s32 v30, v34;
	v2 =	vand.u32 $0x80, v18;
	v18 =	vld.idx.msk [tilespmem:v21+s12+$0x0], $0xffff  }
0x6b: {  	v60 =	vadd.s32 v19, v34;
	v62 =	vand.u32 $0x80, v8;
	v33 =	vadd.s32 v33, v10;
	v19 =	vld.idx.msk [tilespmem:v35+s11+$0x0], $0xffff  }
0x6c: {  	v10 =	vadd.s32 v22, v10;
	v22 =	vadd.s32 v26, v17;
	v58 =	vadd.s32 v27, v17;
	v20 =	vld.idx.msk [tilespmem:v9+s11+$0x0], $0xffff  }
0x6d: {  	v21 =	vld.idx.msk [tilespmem:v24+s12+$0x0], $0xffff;
	v27 =	vor.u32 v28, v59;
	v61 =	vor.u32 v29, v60;
	v31 =	vor.u32 v31, v33  }
0x6e: {  	v3 =	vor.u32 v3, v10;
	v25 =	vor.u32 v25, v22;
	v26 =	vor.u32 v23, v58;
	v22 =	vld.idx.msk [tilespmem:v35+s12+$0x0], $0xffff  }
0x6f: {  	v17 =	vld.idx.msk [tilespmem:v4+s12+$0x0], $0xffff;
	v10 =	vor.u32 v2, v31;
	v4 =	vor.u32 v2, v3;
	v8 =	vor.u32 v62, v25  }
0x70: {  	s22 =	simm.s32 $0x40;
	s23 =	simm.s32 $0xA0;
	s21 =	simm.s32 $0x54A0;
	v3 =	vor.u32 v62, v26;
	v2 =	vor.u32 v63, v61;
	v23 =	vld.idx.msk [tilespmem:v9+s12+$0x0], $0xffff;
	v9 =	vor.u32 v63, v27  }
.LBB2_4:
0x71: {  	v24 =	vld [tilespmem:s23+$0x10];
	v19 =	vmul.f32 v20, v19;
	s19 =	sadd.s32 $0x40, s19;
	v5 =	vmul.f32 v6, v5  }
0x72: {  	v7 =	vmul.f32 v11, v7;
	v11 =	vmul.f32 v13, v12;
	v6 =	vld [tilespmem:s19+$0x10]  }
0x73: {  	s22 =	sadd.s32 $0x40, s22;
	v12 =	vld [tilespmem:s19+$0xFFFFFFE0];
	v13 =	vadd.f32 v22, v19;
	v5 =	vadd.f32 v14, v5  }
0x74: {  	p0 =	slt.u32 s22, $0x1C0;
	v7 =	vadd.f32 v15, v7;
	v11 =	vadd.f32 v16, v11;
	v14 =	vld [tilespmem:s23+$0xFFFFFFF0]  }
0x75: {  	v15 =	vld [tilespmem:s19+$0xFFFFFFF0];
	v13 =	vadd.f32 v23, v13;
	v5 =	vadd.f32 v17, v5  }
0x76: {  	s20 =	sadd.s32 $0x40, s20;
	v7 =	vadd.f32 v18, v7;
	v11 =	vadd.f32 v21, v11;
	v16 =	vld [tilespmem:s23+$0x0]  }
0x77: {  	v17 =	vld [tilespmem:s19+$0x0];
	[tilespmem:s20+$0x10] =	vst v13  }
0x78: {  	v13 =	vld [tilespmem:s23+$0xFFFFFFE0];
	v18 =	vand.u32 $0x7F, v12;
	v19 =	vshll.u32 v12, $0x1;
	[tilespmem:s21+$0xFFFFFFE0] =	vst v5  }
0x79: {  	v19 =	vand.u32 $0xFFFFFF00, v19;
	v21 =	vand.u32 $0x7F, v14;
	v5 =	vshll.u32 v14, $0x1;
	v20 =	vld.idx.msk [tilespmem:v24+s15+$0x0], $0xffff;
	[tilespmem:s21+$0xFFFFFFF0] =	vst v7  }
0x7a: {  	v22 =	vand.u32 $0x7F, v15;
	v23 =	vand.u32 $0xFFFFFF00, v5;
	v5 =	vshll.u32 v15, $0x1;
	v7 =	vld.idx.msk [tilespmem:v6+s15+$0x0], $0xffff;
	[tilespmem:s21+$0x0] =	vst v11;
	s21 =	smov.u32 s20  }
0x7b: {  	v25 =	vld.idx.msk [tilespmem:v12+s15+$0x0], $0xffff;
	v26 =	vand.u32 $0xFFFFFF00, v5;
	v27 =	vand.u32 $0x7F, v16;
	v5 =	vshll.u32 v16, $0x1  }
0x7c: {  	v12 =	vld.idx.msk [tilespmem:v14+s15+$0x0], $0xffff;
	v28 =	vand.u32 $0x7F, v17;
	v29 =	vand.u32 $0xFFFFFF00, v5;
	v5 =	vshll.u32 v17, $0x1  }
0x7d: {  	v30 =	vand.u32 $0x7F, v13;
	v11 =	vshll.u32 v13, $0x1;
	v14 =	vld.idx.msk [tilespmem:v15+s15+$0x0], $0xffff;
	v31 =	vand.u32 $0xFFFFFF00, v5  }
0x7e: {  	v32 =	vand.u32 $0xFFFFFF00, v11;
	v15 =	vld.idx.msk [tilespmem:v16+s15+$0x0], $0xffff  }
0x7f: {  	v16 =	vld.idx.msk [tilespmem:v17+s15+$0x0], $0xffff  }
0x80: {  	v11 =	vand.u32 $0x7F, v24;
	v7 =	vor.u32 v20, v7;
	v13 =	vld.idx.msk [tilespmem:v13+s15+$0x0], $0xffff  }
0x81: {  	v24 =	vshll.u32 v24, $0x1;
	v17 =	vand.u32 $0x7F, v6;
	v20 =	vshll.u32 v7, $0xC;
	v5 =	vld.idx.msk [tilespmem:v10+s11+$0x0], $0xffff  }
0x82: {  	v33 =	vshll.u32 v6, $0x1;
	v24 =	vand.u32 $0xFFFFFF00, v24;
	v20 =	vand.u32 $0xFFFFE000, v20;
	v6 =	vld.idx.msk [tilespmem:v4+s11+$0x0], $0xffff  }
0x83: {  	v33 =	vand.u32 $0xFFFFFF00, v33;
	v34 =	vshll.u32 v7, $0x7;
	v24 =	vadd.s32 v24, v20;
	v7 =	vld.idx.msk [tilespmem:v8+s11+$0x0], $0xffff  }
0x84: {  	v34 =	vand.u32 $0x80, v34;
	v20 =	vadd.s32 v33, v20;
	v24 =	vor.u32 v11, v24;
	v11 =	vld.idx.msk [tilespmem:v3+s11+$0x0], $0xffff  }
0x85: {  	v33 =	vor.u32 v12, v14;
	v14 =	vor.u32 v17, v20;
	v24 =	vor.u32 v34, v24;
	v12 =	vld.idx.msk [tilespmem:v9+s11+$0x0], $0xffff  }
0x86: {  	v20 =	vor.u32 v15, v16;
	v17 =	vor.u32 v13, v25;
	v25 =	vor.u32 v34, v14;
	v13 =	vld.idx.msk [tilespmem:v2+s11+$0x0], $0xffff  }
0x87: {  	v16 =	vshll.u32 v33, $0xC;
	v34 =	vshll.u32 v20, $0xC;
	v15 =	vshll.u32 v17, $0xC;
	v14 =	vld.idx.msk [tilespmem:v10+s12+$0x0], $0xffff  }
0x88: {  	v35 =	vand.u32 $0xFFFFE000, v16;
	v34 =	vand.u32 $0xFFFFE000, v34;
	v10 =	vand.u32 $0xFFFFE000, v15;
	v15 =	vld.idx.msk [tilespmem:v8+s12+$0x0], $0xffff  }
0x89: {  	v23 =	vadd.s32 v23, v35;
	v8 =	vadd.s32 v32, v10;
	v10 =	vadd.s32 v19, v10;
	v16 =	vld.idx.msk [tilespmem:v9+s12+$0x0], $0xffff  }
0x8a: {  	v9 =	vadd.s32 v26, v35;
	v26 =	vadd.s32 v29, v34;
	v29 =	vadd.s32 v31, v34;
	v19 =	vld.idx.msk [tilespmem:v24+s11+$0x0], $0xffff  }
0x8b: {  	v32 =	vshll.u32 v33, $0x7;
	v33 =	vshll.u32 v20, $0x7;
	v31 =	vshll.u32 v17, $0x7;
	v20 =	vld.idx.msk [tilespmem:v25+s11+$0x0], $0xffff  }
.Ltmp1:
0x8c: {  	v21 =	vor.u32 v21, v23;
	v8 =	vor.u32 v30, v8;
	v30 =	vor.u32 v18, v10;
	v17 =	vld.idx.msk [tilespmem:v4+s12+$0x0], $0xffff;
	(pc) =	sbr.rel @p0 .LBB2_4-.Ltmp1, $4  }
0x8d: {  	v9 =	vor.u32 v22, v9;
	v26 =	vor.u32 v27, v26;
	v27 =	vor.u32 v28, v29;
	v22 =	vld.idx.msk [tilespmem:v24+s12+$0x0], $0xffff  }
0x8e: {  	v28 =	vand.u32 $0x80, v33;
	v4 =	vand.u32 $0x80, v31;
	v24 =	vand.u32 $0x80, v32;
	v18 =	vld.idx.msk [tilespmem:v3+s12+$0x0], $0xffff  }
0x8f: {  	v10 =	vor.u32 v4, v8;
	v4 =	vor.u32 v4, v30;
	v8 =	vor.u32 v24, v21;
	v23 =	vld.idx.msk [tilespmem:v25+s12+$0x0], $0xffff  }
0x90: {  	s23 =	sadd.s32 $0x40, s23;
	v3 =	vor.u32 v24, v9;
	v9 =	vor.u32 v28, v26;
	v21 =	vld.idx.msk [tilespmem:v2+s12+$0x0], $0xffff;
	v2 =	vor.u32 v28, v27  }
0x91: {  	_ =	sdelay $0x3  }
0x92: {  	v24 =	vld.idx.msk [tilespmem:v10+s11+$0x0], $0xffff  }
0x93: {  	v25 =	vld.idx.msk [tilespmem:v4+s11+$0x0], $0xffff  }
0x94: {  	v26 =	vld.idx.msk [tilespmem:v8+s11+$0x0], $0xffff  }
0x95: {  	v27 =	vld.idx.msk [tilespmem:v3+s11+$0x0], $0xffff  }
0x96: {  	v28 =	vld.idx.msk [tilespmem:v9+s11+$0x0], $0xffff  }
0x97: {  	v29 =	vld.idx.msk [tilespmem:v2+s11+$0x0], $0xffff  }
0x98: {  	v19 =	vmul.f32 v20, v19;
	v53 =	vld.idx.msk [tilespmem:v10+s12+$0x0], $0xffff  }
0x99: {  	v5 =	vmul.f32 v6, v5;
	v54 =	vld.idx.msk [tilespmem:v8+s12+$0x0], $0xffff  }
0x9a: {  	v7 =	vmul.f32 v11, v7;
	v56 =	vld.idx.msk [tilespmem:v9+s12+$0x0], $0xffff;
	v55 =	vadd.f32 v22, v19  }
0x9b: {  	v57 =	vmul.f32 v13, v12;
	v58 =	vld.idx.msk [tilespmem:v4+s12+$0x0], $0xffff;
	v5 =	vadd.f32 v14, v5  }
0x9c: {  	v3 =	vld.idx.msk [tilespmem:v3+s12+$0x0], $0xffff;
	v7 =	vadd.f32 v15, v7;
	v8 =	vadd.f32 v23, v55;
	v59 =	vmul.f32 v25, v24  }
0x9d: {  	s19 =	sadd.s32 $0x40, s20;
	v2 =	vld.idx.msk [tilespmem:v2+s12+$0x0], $0xffff;
	v11 =	vadd.f32 v16, v57;
	v5 =	vadd.f32 v17, v5;
	v60 =	vmul.f32 v27, v26  }
0x9e: {  	v7 =	vadd.f32 v18, v7;
	v61 =	vmul.f32 v29, v28;
	[tilespmem:s19+$0x10] =	vst v8;
	v10 =	vadd.f32 v53, v59  }
0x9f: {  	v11 =	vadd.f32 v21, v11;
	[tilespmem:s21+$0xFFFFFFE0] =	vst v5;
	v62 =	vadd.f32 v54, v60  }
0xa0: {  	[tilespmem:s21+$0xFFFFFFF0] =	vst v7;
	v63 =	vadd.f32 v56, v61;
	v4 =	vadd.f32 v58, v10  }
0xa1: {  	[tilespmem:s21+$0x0] =	vst v11;
	v3 =	vadd.f32 v3, v62  }
0xa2: {  	s18 =	sadd.s32 $0x1, s18;
	v2 =	vadd.f32 v2, v63;
	[tilespmem:s19+$0xFFFFFFE0] =	vst v4  }
0xa3: {  	p0 =	sne.s32 s18, s9;
	[tilespmem:s19+$0xFFFFFFF0] =	vst v3  }
.Ltmp2:
0xa4: {  	[tilespmem:s19+$0x0] =	vst v2;
	(pc) =	sbr.rel @p0 .LBB2_1-.Ltmp2, $4  }
0xa5: {  	[hbm4b:s8+s5] =	stream.linear.scatter [tilespmem:s16], [sflag:$0x2], $0x200, $0x38;
	[tilespmem:$0x5680] =	vst v63  }
0xa6: {  	_ =	swait.ge [sflag:s17], $0x200  }
0xa7: {  	[sflag:s17] =	ssyncset.done $0x0  }
0xa8: {  	[sflag:s17] =	ssyncadd.s32 $0xFFFFFE00  }
0xa9: {  	_ =	sfence.sel $0x180000  }
0xaa: {  	[bflag:$0x0] =	sbarrier.arrive $0xFFFF  }
0xab: {  	p0 =	sne.s32 s2, $0x0;
	_ =	strace $0x90000047  }
0xac: {  	s0 =	sadd.s32 @!p0 $0x100000, s1;
	[bflag:$0x2] =	sbarrier.arrive $0xFFFF  }
0xad: {  	[sflag:s0] =	ssyncadd.tile.s32 @!p0 $0x1;
	_ =	shalt  }
.Lfunc_end2:
_tile_overlayer_lowered:
.L_overlay_start_2:
0xae: {  	(tag) =	ssettag $0x2  }
0xaf: {  	s0 =	rddreg [dreg:$0x0];
	s2 =	stileid.u32  }
0xb0: {  	s1 =	rddreg [dreg:$0x1];
	p0 =	sne.s32 s2, $0x0  }
0xb1: {  	s3 =	rddreg [dreg:$0x2];
	[bflag:$0x3] =	sbarrier.arrive $0xFFFF;
	s2 =	simm.s32 @!p0 $0x1C02  }
0xb2: {  	[timem:s3], [sflag:s2] =	dma.local @!p0 [hbm:s0], s1  }
0xb3: {  	s0 =	simm.s32 @!p0 $0x2  }
0xb4: {  	_ =	swait.ge @!p0 [sflag:s0], s1  }
0xb5: {  	s1 =	ssub.s32 @!p0 $0x0, s1;
	[sflag:s0] =	ssyncset.done @!p0 $0x0  }
0xb6: {  	[sflag:s0] =	ssyncadd.s32 @!p0 s1  }
0xb7: {  	[bflag:$0x3] =	sbarrier.arrive $0xFFFF  }
0xb8: {  	_ =	shalt  }

</sc_bundles>
